<compile_context>
chip_gen: v7x
topology: tpu7x:2x2x1
jax: 0.10.2.dev20260603
libtpu: 0.0.44.dev20260713+nightly
codegen_flags: <defaults>
</compile_context>

<pallas_src>
import jax
import jax.numpy as jnp
from jax.experimental import pallas as pl

_G = 76
_GG = _G * _G
_A = 3
_C = 80
_STRIDE = 8.0
_AW = (10.0, 16.0, 33.0)
_AH = (13.0, 30.0, 23.0)


def _decode_body(x_ref, bbox_ref, conf_ref, cls_ref):
    blk = x_ref[0]
    a = pl.program_id(0) % _A

    i_vec = jax.lax.broadcasted_iota(jnp.int32, (1, _GG), 1)
    gx = (i_vec % _G).astype(jnp.float32)
    gy = (i_vec // _G).astype(jnp.float32)
    aw = jnp.where(a == 0, _AW[0], jnp.where(a == 1, _AW[1], _AW[2]))
    ah = jnp.where(a == 0, _AH[0], jnp.where(a == 1, _AH[1], _AH[2]))

    xy = jax.nn.sigmoid(blk[0:2, :])
    bx = (xy[0:1] + gx) * _STRIDE
    by = (xy[1:2] + gy) * _STRIDE
    wh = jnp.exp(blk[2:4, :])
    bw = wh[0:1] * aw
    bh = wh[1:2] * ah
    bbox = jnp.concatenate([bx, by, bw, bh], axis=0)
    bbox_ref[0] = bbox.T

    conf_ref[0] = jax.nn.sigmoid(blk[4:5, :])
    cls_ref[0] = jax.nn.sigmoid(blk[5:, :]).T


@jax.jit
def kernel(x):
    B = x.shape[0]
    n = B * _A
    xr = x.reshape(n, _C + 5, _GG)
    bbox, conf, cls = pl.pallas_call(
        _decode_body,
        grid=(n,),
        in_specs=[pl.BlockSpec((1, _C + 5, _GG), lambda i: (i, 0, 0))],
        out_specs=[
            pl.BlockSpec((1, _GG, 4), lambda i: (i, 0, 0)),
            pl.BlockSpec((1, 1, _GG), lambda i: (i, 0, 0)),
            pl.BlockSpec((1, _GG, _C), lambda i: (i, 0, 0)),
        ],
        out_shape=[
            jax.ShapeDtypeStruct((n, _GG, 4), x.dtype),
            jax.ShapeDtypeStruct((n, 1, _GG), x.dtype),
            jax.ShapeDtypeStruct((n, _GG, _C), x.dtype),
        ],
    )(xr)
    return (
        bbox.reshape(B, _A, _G, _G, 4),
        conf.reshape(B, _A, _G, _G),
        cls.reshape(B, _A, _G, _G, _C),
    )

# --- scband reference (transcript-rebuilt; emitter-appended) ---
"""Pipeline reference for scband-yololayer-30932354466415 (READ-ONLY COPY).

The authoritative reference and input builder live on the scoring server;
editing this copy changes nothing except your own understanding.
"""

import jax, jax.numpy as jnp
import numpy as np

ANCHORS = np.array([[10.0, 13.0], [16.0, 30.0], [33.0, 23.0]], dtype=np.float32)
NUM_CLASSES = 80
IMG_SIZE = 608


def setup_inputs(seed: int = 0) -> dict:
    key = jax.random.key(seed)
    x = jax.random.normal(key, (32, 3 * (NUM_CLASSES + 5), 76, 76), dtype=jnp.float32)
    return {"x": x}


def reference(x):
    # inference path of YOLOLayer.forward (targets=None)
    B = x.shape[0]
    G = x.shape[2]
    A = ANCHORS.shape[0]
    C = NUM_CLASSES
    stride = IMG_SIZE / G
    pred = x.reshape(B, A, C + 5, G, G).transpose(0, 1, 3, 4, 2)
    cxcy = jax.nn.sigmoid(pred[..., :2])
    wh = pred[..., 2:4]
    pred_conf = pred[..., 4]
    pred_cls = pred[..., 5:]
    # grid offsets (torch.meshgrid default 'ij' indexing: y, x = meshgrid(t, t))
    t = jnp.arange(G)
    yy, xx = jnp.meshgrid(t, t, indexing='ij')
    grid_xy = jnp.stack((xx, yy), axis=-1).astype(x.dtype)[None, None]  # [1,1,G,G,2]
    scaled_anchors = jnp.asarray(ANCHORS) / stride
    grid_wh = scaled_anchors.reshape(1, A, 1, 1, 2)
    abs_cxcy = cxcy + grid_xy
    abs_wh = jnp.exp(wh) * grid_wh
    pred_bbox = jnp.concatenate((abs_cxcy, abs_wh), axis=-1)
    return (pred_bbox * stride, jax.nn.sigmoid(pred_conf), jax.nn.sigmoid(pred_cls))

if __name__ == "__main__":
    import jax
    _d = setup_inputs()
    print(jax.jit(kernel)(*tuple(_d.values())))

</pallas_src>

<mosaic_0001>
module attributes {stable_mosaic.version = 14 : i64} {
  func.func @_decode_body(%arg0: i32, %arg1: memref<1x85x5776xf32, #tpu.memory_space<vmem>>, %arg2: memref<1x5776x4xf32, #tpu.memory_space<vmem>>, %arg3: memref<1x1x5776xf32, #tpu.memory_space<vmem>>, %arg4: memref<1x5776x80xf32, #tpu.memory_space<vmem>>) attributes {dimension_semantics = [#tpu.dimension_semantics<arbitrary>], iteration_bounds = array<i64: 96>, scalar_prefetch = 0 : i64, scratch_operands = 0 : i64, tpu.core_type = #tpu.core_type<tc>, window_params = [{transform_indices = @transform_0, window_bounds = array<i64: 1, 85, 5776>}, {transform_indices = @transform_1, window_bounds = array<i64: 1, 5776, 4>}, {transform_indices = @transform_2, window_bounds = array<i64: 1, 1, 5776>}, {transform_indices = @transform_3, window_bounds = array<i64: 1, 5776, 80>}]} {
    %get3A = arith.constant 0 : index
    %get3A_0 = arith.constant 0 : index
    %get3A_1 = arith.constant 0 : index
    %get3A_2 = vector.load %arg1[%get3A, %get3A_0, %get3A_1] : memref<1x85x5776xf32, #tpu.memory_space<vmem>>, vector<1x85x5776xf32>
    %get3A_3 = vector.shape_cast %get3A_2 : vector<1x85x5776xf32> to vector<85x5776xf32>
    %jit3A = arith.constant 3 : i32
    %eq3A = arith.constant 0 : i32
    %eq3A_4 = arith.cmpi eq, %jit3A, %eq3A : i32
    %jit3A_5 = arith.constant 1 : i32
    %select_n3A = arith.select %eq3A_4, %jit3A_5, %jit3A : i32
    %rem3A = arith.remsi %arg0, %select_n3A : i32
    %ne3A = arith.constant 0 : i32
    %ne3A_6 = arith.cmpi ne, %rem3A, %ne3A : i32
    %lt3A = arith.constant 0 : i32
    %lt3A_7 = arith.cmpi slt, %rem3A, %lt3A : i32
    %lt3A_8 = arith.constant 0 : i32
    %lt3A_9 = arith.cmpi slt, %select_n3A, %lt3A_8 : i32
    %ne3A_10 = arith.xori %lt3A_7, %lt3A_9 : i1
    %and3A = arith.andi %ne3A_10, %ne3A_6 : i1
    %add3A = arith.addi %rem3A, %select_n3A : i32
    %select_n3A_11 = arith.select %and3A, %add3A, %rem3A : i32
    %iota3A = tpu.iota {dimensions = array<i32: 1>} : vector<1x5776xi32>
    %jit3A_12 = arith.constant 76 : i32
    %eq3A_13 = arith.constant 0 : i32
    %eq3A_14 = arith.cmpi eq, %jit3A_12, %eq3A_13 : i32
    %jit3A_15 = arith.constant 1 : i32
    %select_n3A_16 = arith.select %eq3A_14, %jit3A_15, %jit3A_12 : i32
    %rem3A_17 = vector.broadcast %select_n3A_16 : i32 to vector<1x5776xi32>
    %rem3A_18 = arith.remsi %iota3A, %rem3A_17 : vector<1x5776xi32>
    %ne3A_19 = arith.constant 0 : i32
    %ne3A_20 = vector.broadcast %ne3A_19 : i32 to vector<1x5776xi32>
    %ne3A_21 = arith.cmpi ne, %rem3A_18, %ne3A_20 : vector<1x5776xi32>
    %lt3A_22 = arith.constant 0 : i32
    %lt3A_23 = vector.broadcast %lt3A_22 : i32 to vector<1x5776xi32>
    %lt3A_24 = arith.cmpi slt, %rem3A_18, %lt3A_23 : vector<1x5776xi32>
    %lt3A_25 = arith.constant 0 : i32
    %lt3A_26 = arith.cmpi slt, %select_n3A_16, %lt3A_25 : i32
    %ne3A_27 = vector.broadcast %lt3A_26 : i1 to vector<1x5776xi1>
    %ne3A_28 = vector.broadcast %ne3A_27 : vector<1x5776xi1> to vector<1x5776xi1>
    %ne3A_29 = arith.xori %lt3A_24, %ne3A_28 : vector<1x5776xi1>
    %and3A_30 = arith.andi %ne3A_29, %ne3A_21 : vector<1x5776xi1>
    %add3A_31 = vector.broadcast %select_n3A_16 : i32 to vector<1x5776xi32>
    %add3A_32 = arith.addi %rem3A_18, %add3A_31 : vector<1x5776xi32>
    %select_n3A_33 = arith.select %and3A_30, %add3A_32, %rem3A_18 : vector<1x5776xi1>, vector<1x5776xi32>
    %convert_element_type3A = arith.sitofp %select_n3A_33 : vector<1x5776xi32> to vector<1x5776xf32>
    %jit3A_34 = arith.constant 76 : i32
    %div3A = vector.broadcast %jit3A_34 : i32 to vector<1x5776xi32>
    %div3A_35 = arith.divsi %iota3A, %div3A : vector<1x5776xi32>
    %sign3A = arith.constant 0 : i32
    %sign3A_36 = vector.broadcast %sign3A : i32 to vector<1x5776xi32>
    %sign3A_37 = arith.cmpi sgt, %iota3A, %sign3A_36 : vector<1x5776xi32>
    %sign3A_38 = arith.extui %sign3A_37 : vector<1x5776xi1> to vector<1x5776xi32>
    %sign3A_39 = arith.constant 0 : i32
    %sign3A_40 = vector.broadcast %sign3A_39 : i32 to vector<1x5776xi32>
    %sign3A_41 = arith.cmpi slt, %iota3A, %sign3A_40 : vector<1x5776xi32>
    %sign3A_42 = arith.extui %sign3A_41 : vector<1x5776xi1> to vector<1x5776xi32>
    %sign3A_43 = arith.subi %sign3A_38, %sign3A_42 : vector<1x5776xi32>
    %sign3A_44 = arith.constant 0 : i32
    %sign3A_45 = arith.cmpi sgt, %jit3A_34, %sign3A_44 : i32
    %sign3A_46 = arith.extui %sign3A_45 : i1 to i32
    %sign3A_47 = arith.constant 0 : i32
    %sign3A_48 = arith.cmpi slt, %jit3A_34, %sign3A_47 : i32
    %sign3A_49 = arith.extui %sign3A_48 : i1 to i32
    %sign3A_50 = arith.subi %sign3A_46, %sign3A_49 : i32
    %ne3A_51 = vector.broadcast %sign3A_50 : i32 to vector<1x5776xi32>
    %ne3A_52 = arith.cmpi ne, %sign3A_43, %ne3A_51 : vector<1x5776xi32>
    %rem3A_53 = vector.broadcast %jit3A_34 : i32 to vector<1x5776xi32>
    %rem3A_54 = arith.remsi %iota3A, %rem3A_53 : vector<1x5776xi32>
    %ne3A_55 = arith.constant 0 : i32
    %ne3A_56 = vector.broadcast %ne3A_55 : i32 to vector<1x5776xi32>
    %ne3A_57 = arith.cmpi ne, %rem3A_54, %ne3A_56 : vector<1x5776xi32>
    %and3A_58 = arith.andi %ne3A_52, %ne3A_57 : vector<1x5776xi1>
    %sub3A = arith.constant 1 : i32
    %sub3A_59 = vector.broadcast %sub3A : i32 to vector<1x5776xi32>
    %sub3A_60 = arith.subi %div3A_35, %sub3A_59 : vector<1x5776xi32>
    %select_n3A_61 = arith.select %and3A_58, %sub3A_60, %div3A_35 : vector<1x5776xi1>, vector<1x5776xi32>
    %convert_element_type3A_62 = arith.sitofp %select_n3A_61 : vector<1x5776xi32> to vector<1x5776xf32>
    %eq3A_63 = arith.constant 0 : i32
    %eq3A_64 = arith.cmpi eq, %select_n3A_11, %eq3A_63 : i32
    %eq3A_65 = arith.constant 1 : i32
    %eq3A_66 = arith.cmpi eq, %select_n3A_11, %eq3A_65 : i32
    %jit3A_67 = arith.constant 1.600000e+01 : f32
    %jit3A_68 = arith.constant 3.300000e+01 : f32
    %select_n3A_69 = arith.select %eq3A_66, %jit3A_67, %jit3A_68 : f32
    %jit3A_70 = arith.constant 1.000000e+01 : f32
    %select_n3A_71 = arith.select %eq3A_64, %jit3A_70, %select_n3A_69 : f32
    %eq3A_72 = arith.constant 0 : i32
    %eq3A_73 = arith.cmpi eq, %select_n3A_11, %eq3A_72 : i32
    %eq3A_74 = arith.constant 1 : i32
    %eq3A_75 = arith.cmpi eq, %select_n3A_11, %eq3A_74 : i32
    %jit3A_76 = arith.constant 3.000000e+01 : f32
    %jit3A_77 = arith.constant 2.300000e+01 : f32
    %select_n3A_78 = arith.select %eq3A_75, %jit3A_76, %jit3A_77 : f32
    %jit3A_79 = arith.constant 1.300000e+01 : f32
    %select_n3A_80 = arith.select %eq3A_73, %jit3A_79, %select_n3A_78 : f32
    %slice3A = vector.extract_strided_slice %get3A_3 {offsets = [0, 0], sizes = [2, 5776], strides = [1, 1]} : vector<85x5776xf32> to vector<2x5776xf32>
    %logistic3A = arith.negf %slice3A : vector<2x5776xf32>
    %logistic3A_81 = math.exp %logistic3A : vector<2x5776xf32>
    %logistic3A_82 = arith.constant 1.000000e+00 : f32
    %logistic3A_83 = vector.broadcast %logistic3A_82 : f32 to vector<2x5776xf32>
    %logistic3A_84 = arith.addf %logistic3A_83, %logistic3A_81 : vector<2x5776xf32>
    %logistic3A_85 = arith.divf %logistic3A_83, %logistic3A_84 : vector<2x5776xf32>
    %slice3A_86 = vector.extract_strided_slice %logistic3A_85 {offsets = [0, 0], sizes = [1, 5776], strides = [1, 1]} : vector<2x5776xf32> to vector<1x5776xf32>
    %add3A_87 = arith.addf %slice3A_86, %convert_element_type3A : vector<1x5776xf32>
    %mul3A = arith.constant 8.000000e+00 : f32
    %mul3A_88 = vector.broadcast %mul3A : f32 to vector<1x5776xf32>
    %mul3A_89 = arith.mulf %add3A_87, %mul3A_88 : vector<1x5776xf32>
    %slice3A_90 = vector.extract_strided_slice %logistic3A_85 {offsets = [1, 0], sizes = [1, 5776], strides = [1, 1]} : vector<2x5776xf32> to vector<1x5776xf32>
    %add3A_91 = arith.addf %slice3A_90, %convert_element_type3A_62 : vector<1x5776xf32>
    %mul3A_92 = arith.constant 8.000000e+00 : f32
    %mul3A_93 = vector.broadcast %mul3A_92 : f32 to vector<1x5776xf32>
    %mul3A_94 = arith.mulf %add3A_91, %mul3A_93 : vector<1x5776xf32>
    %slice3A_95 = vector.extract_strided_slice %get3A_3 {offsets = [2, 0], sizes = [2, 5776], strides = [1, 1]} : vector<85x5776xf32> to vector<2x5776xf32>
    %exp3A = math.exp %slice3A_95 : vector<2x5776xf32>
    %slice3A_96 = vector.extract_strided_slice %exp3A {offsets = [0, 0], sizes = [1, 5776], strides = [1, 1]} : vector<2x5776xf32> to vector<1x5776xf32>
    %mul3A_97 = vector.broadcast %select_n3A_71 : f32 to vector<1x5776xf32>
    %mul3A_98 = arith.mulf %slice3A_96, %mul3A_97 : vector<1x5776xf32>
    %slice3A_99 = vector.extract_strided_slice %exp3A {offsets = [1, 0], sizes = [1, 5776], strides = [1, 1]} : vector<2x5776xf32> to vector<1x5776xf32>
    %mul3A_100 = vector.broadcast %select_n3A_80 : f32 to vector<1x5776xf32>
    %mul3A_101 = arith.mulf %slice3A_99, %mul3A_100 : vector<1x5776xf32>
    %concatenate3A = tpu.concatenate %mul3A_89, %mul3A_94, %mul3A_98, %mul3A_101 in 0 : vector<1x5776xf32>, vector<1x5776xf32>, vector<1x5776xf32>, vector<1x5776xf32> -> vector<4x5776xf32>
    %transpose3A = tpu.transpose %concatenate3A, [1, 0] : vector<4x5776xf32> -> vector<5776x4xf32>
    %swap3A = arith.constant 0 : index
    %swap3A_102 = arith.constant 0 : index
    %swap3A_103 = arith.constant 0 : index
    %swap3A_104 = vector.load %arg2[%swap3A, %swap3A_102, %swap3A_103] : memref<1x5776x4xf32, #tpu.memory_space<vmem>>, vector<1x5776x4xf32>
    %swap3A_105 = vector.shape_cast %swap3A_104 : vector<1x5776x4xf32> to vector<5776x4xf32>
    %swap3A_106 = vector.shape_cast %transpose3A : vector<5776x4xf32> to vector<1x5776x4xf32>
    tpu.vector_store %arg2[%swap3A, %swap3A_102, %swap3A_103], %swap3A_106 {strides = array<i32>} : memref<1x5776x4xf32, #tpu.memory_space<vmem>>, vector<1x5776x4xf32>,
    %slice3A_107 = vector.extract_strided_slice %get3A_3 {offsets = [4, 0], sizes = [1, 5776], strides = [1, 1]} : vector<85x5776xf32> to vector<1x5776xf32>
    %logistic3A_108 = arith.negf %slice3A_107 : vector<1x5776xf32>
    %logistic3A_109 = math.exp %logistic3A_108 : vector<1x5776xf32>
    %logistic3A_110 = arith.constant 1.000000e+00 : f32
    %logistic3A_111 = vector.broadcast %logistic3A_110 : f32 to vector<1x5776xf32>
    %logistic3A_112 = arith.addf %logistic3A_111, %logistic3A_109 : vector<1x5776xf32>
    %logistic3A_113 = arith.divf %logistic3A_111, %logistic3A_112 : vector<1x5776xf32>
    %swap3A_114 = arith.constant 0 : index
    %swap3A_115 = arith.constant 0 : index
    %swap3A_116 = arith.constant 0 : index
    %swap3A_117 = vector.load %arg3[%swap3A_114, %swap3A_115, %swap3A_116] : memref<1x1x5776xf32, #tpu.memory_space<vmem>>, vector<1x1x5776xf32>
    %swap3A_118 = vector.shape_cast %swap3A_117 : vector<1x1x5776xf32> to vector<1x5776xf32>
    %swap3A_119 = vector.shape_cast %logistic3A_113 : vector<1x5776xf32> to vector<1x1x5776xf32>
    tpu.vector_store %arg3[%swap3A_114, %swap3A_115, %swap3A_116], %swap3A_119 {strides = array<i32>} : memref<1x1x5776xf32, #tpu.memory_space<vmem>>, vector<1x1x5776xf32>,
    %slice3A_120 = vector.extract_strided_slice %get3A_3 {offsets = [5, 0], sizes = [80, 5776], strides = [1, 1]} : vector<85x5776xf32> to vector<80x5776xf32>
    %logistic3A_121 = arith.negf %slice3A_120 : vector<80x5776xf32>
    %logistic3A_122 = math.exp %logistic3A_121 : vector<80x5776xf32>
    %logistic3A_123 = arith.constant 1.000000e+00 : f32
    %logistic3A_124 = vector.broadcast %logistic3A_123 : f32 to vector<80x5776xf32>
    %logistic3A_125 = arith.addf %logistic3A_124, %logistic3A_122 : vector<80x5776xf32>
    %logistic3A_126 = arith.divf %logistic3A_124, %logistic3A_125 : vector<80x5776xf32>
    %transpose3A_127 = tpu.transpose %logistic3A_126, [1, 0] : vector<80x5776xf32> -> vector<5776x80xf32>
    %swap3A_128 = arith.constant 0 : index
    %swap3A_129 = arith.constant 0 : index
    %swap3A_130 = arith.constant 0 : index
    %swap3A_131 = vector.load %arg4[%swap3A_128, %swap3A_129, %swap3A_130] : memref<1x5776x80xf32, #tpu.memory_space<vmem>>, vector<1x5776x80xf32>
    %swap3A_132 = vector.shape_cast %swap3A_131 : vector<1x5776x80xf32> to vector<5776x80xf32>
    %swap3A_133 = vector.shape_cast %transpose3A_127 : vector<5776x80xf32> to vector<1x5776x80xf32>
    tpu.vector_store %arg4[%swap3A_128, %swap3A_129, %swap3A_130], %swap3A_133 {strides = array<i32>} : memref<1x5776x80xf32, #tpu.memory_space<vmem>>, vector<1x5776x80xf32>,
    return
  }
  func.func @transform_0(%arg0: i32) -> (i32, i32, i32) {
    %c0_i32 = arith.constant 0 : i32
    %c0_i32_0 = arith.constant 0 : i32
    %c0_i32_1 = arith.constant 0 : i32
    return %arg0, %c0_i32, %c0_i32_0 : i32, i32, i32
  }
  func.func @transform_1(%arg0: i32) -> (i32, i32, i32) {
    %c0_i32 = arith.constant 0 : i32
    %c0_i32_0 = arith.constant 0 : i32
    %c0_i32_1 = arith.constant 0 : i32
    return %arg0, %c0_i32, %c0_i32_0 : i32, i32, i32
  }
  func.func @transform_2(%arg0: i32) -> (i32, i32, i32) {
    %c0_i32 = arith.constant 0 : i32
    %c0_i32_0 = arith.constant 0 : i32
    %c0_i32_1 = arith.constant 0 : i32
    return %arg0, %c0_i32, %c0_i32_0 : i32, i32, i32
  }
  func.func @transform_3(%arg0: i32) -> (i32, i32, i32) {
    %c0_i32 = arith.constant 0 : i32
    %c0_i32_0 = arith.constant 0 : i32
    %c0_i32_1 = arith.constant 0 : i32
    return %arg0, %c0_i32, %c0_i32_0 : i32, i32, i32
  }
}

</mosaic_0001>

<sc_bundles>
// kernel: sparse-core-data-format-call.cloned.1.call-start
scs
called_computation_lowered:
.L_overlay_start_0:
0x0: {  	s2 =	sld [smem:$0x3FD9]  }
0x1: {  	s3 =	sld [smem:$0x3FFE];
	_ =	sdelay $0x1  }
0x2: {  	s1 =	srdreg.scid  }
0x3: {  	s0 =	sand.u32 $0x1, s1  }
0x4: {  	s15 =	sshll.u32 s0, $0xA;
	s2 =	sadd.s32 s3, s2  }
0x5: {  	s2 =	sadd.s32 s2, s15  }
0x6: {  	[smem:$0x3FC7] =	sst s2  }
0x7: {  	_ = 	snop  }
0x8: {  	s2 =	sld [smem:$0x3FD0];
	_ =	sdelay $0x2  }
0x9: {  	s16 =	simm.s32 $0xA;
	s4 =	simm.s32 $0x10  }
0xa: {  	[smem:s4], [sflag:s16] =	dma.local [hbm:s2], $0x1  }
0xb: {  	_ =	swait.eq [sflag:s16], $0x1  }
0xc: {  	[sflag:s16] =	ssyncset.done $0x0  }
0xd: {  	[sflag:s16] =	ssyncadd.s32 $0xFFFFFFFF  }
0xe: {  	s17 =	sld [smem:$0x12];
	(tm) =	ssettm $0x1  }
0xf: {  	s18 =	sld [smem:$0x3FFB];
	_ =	sdelay $0x3  }
0x10: {  	_ =	strace s18  }
0x11: {  	s3 =	sld [smem:$0x3FFC];
	_ =	sdelay $0x3  }
0x12: {  	_ =	strace s3  }
0x13: {  	s3 =	sld [smem:$0x3FFD];
	_ =	sdelay $0x3  }
0x14: {  	_ =	strace s3  }
0x15: {  	_ =	strace $0x8FFFFFFF  }
0x16: {  	s19 =	sld [smem:$0x3FDB];
	_ =	sdelay $0x1  }
0x17: {  	s20 =	simm.s32 $_scs_section_size  }
0x18: {  	s5 =	simm.s32 $_size__tile_overlayer_lowered;
	s6 =	simm.s32 $_tile_overlayer_lowered  }
0x19: {  	s23 =	simm.s32 $0x1BFF;
	s22 =	sshll.u32 s6, $0x1;
	s3 =	sadd.s32 s20, s19  }
0x1a: {  	s7 =	simm.s32 $0x0;
	s21 =	sshll.u32 s5, $0x1;
	s5 =	sadd.s32 s22, s3  }
0x1b: {  	[timem:s7], [sflag:s23] =	dma.local [hbm:s5], s21  }
0x1c: {  	_ =	swait.ge [sflag:s23], s21  }
0x1d: {  	s4 =	ssub.s32 $0x0, s21;
	[sflag:s23] =	ssyncset.done $0x0  }
0x1e: {  	[sflag:s23] =	ssyncadd.s32 s4;
	_ =	sdelay $0x1  }
0x1f: {  	s24 =	simm.s32 $0x1B8B  }
0x20: {  	_ =	swait.ge [sflag:s24], $0x1  }
0x21: {  	[sflag:s24] =	ssyncset.done $0x0  }
0x22: {  	s26 =	simm.s32 $0x1B8E;
	s25 =	sld [smem:$0x3FFE];
	[sflag:s24] =	ssyncadd.s32 $0xFFFFFFFF  }
0x23: {  	s27 =	simm.s32 $execute0_lowered;
	[smem:$0x3FD2] =	sst s26  }
0x24: {  	s5 =	sshll.u32 s27, $0x1;
	_ =	strace $0x80000046;
	[dreg:$0x1] =	wrdreg $0xFFFFFFFF  }
0x25: {  	s28 =	simm.s32 $_size_execute0_lowered;
	s3 =	sadd.s32 s3, s5;
	[dreg:$0x0] =	wrdreg $0x0  }
0x26: {  	s5 =	sshll.u32 s28, $0x1;
	[dreg:$0x2] =	wrdreg s3  }
0x27: {  	[dreg:$0x3] =	wrdreg s5  }
0x28: {  	[dreg:$0x4] =	wrdreg $0xC0  }
0x29: {  	_ =	task [dreg:s7], $0x5FFFF  }
0x2a: {  	[dreg:$0x1] =	wrdreg $0xFFFFFFFF  }
0x2b: {  	[dreg:$0x0] =	wrdreg $0x60  }
0x2c: {  	[dreg:$0x2] =	wrdreg s25  }
0x2d: {  	[dreg:$0x3] =	wrdreg s17  }
0x2e: {  	[dreg:$0x4] =	wrdreg $0x9  }
0x2f: {  	_ =	task.clear_ibuf [dreg:s7], $0x5FFFF;
	_ =	strace $0x90000046  }
0x30: {  	s29 =	simm.s32 $0x9;
	_ =	strace $0x80000048  }
0x31: {  	_ =	swait.ge [sflag:s29], $0x1  }
0x32: {  	[sflag:s29] =	ssyncadd.s32 $0xFFFFFFFF  }
0x33: {  	_ =	strace $0x90000048  }
0x34: {  	_ =	sfence  }
0x35: {  	s30 =	sld [smem:$0x0];
	_ =	sdelay $0x2  }
0x36: {  	s31 =	sshll.u32 s1, $0xD;
	s1 =	sshrl.u32 s1, $0x2  }
0x37: {  	s3 =	sand.u32 $0x4000, s31;
	s1 =	sadd.s32 s1, s30  }
0x38: {  	s0 =	sor.u32 s3, s0;
	s1 =	sshll.u32 s1, $0x11  }
0x39: {  	s0 =	sor.u32 s1, s0  }
0x3a: {  	s0 =	sadd.s32 $0x8F2B, s0  }
0x3b: {  	[sflag:s0] =	ssyncadd.remote.s32 $0x1  }
0x3c: {  	_ =	sfence.sel $0xFFFF  }
0x3d: {  	[dreg:$0x0] =	wrdreg $0xFFFFFFFF;
	(pc) =	sbr.abs _section_cstart, $3  }
0x3e: {  	[dreg:$0x1] =	wrdreg $0xFFFFFFFF  }
0x3f: {  	_ =	task.clear_ibuf [dreg:s7], $0x2FFFF;
	_ =	strace $0x9FFFFFFF  }
0x40: {  	(tm) =	ssettm $0x7FFFFFFF  }
0x41: {  	_ =	shalt  }
tec
execute0_lowered:
.L_overlay_start_1:
0x0: {  	(tag) =	ssettag $0x1  }
0x1: {  	s6 =	rddreg [dreg:$0x0]  }
0x2: {  	s0 =	srdreg.scid;
	s3 =	rddreg [dreg:$0x1]  }
0x3: {  	s7 =	simm.s32 $0x2;
	s8 =	simm.s32 $0x0;
	s9 =	simm.s32 $0x0  }
0x4: {  	s15 =	simm.s32 $0x0;
	s16 =	simm.s32 $0x0;
	s1 =	sshll.u32 s0, $0x4  }
0x5: {  	s17 =	simm.s32 $0x0;
	s0 =	stileid.u32;
	s1 =	sand.u32 $0x10, s1  }
0x6: {  	s18 =	simm.s32 $0x0;
	s10 =	simm.s32 $0x0;
	s2 =	sor.u32 s0, s1  }
.Ltmp0:
0x7: {  	s12 =	simm.s32 $0x0;
	s4 =	ssub.s32 $0x6B, s2;
	(pc) =	sbr.rel .LBB1_1-.Ltmp0, $4  }
0x8: {  	s13 =	simm.s32 $0x0;
	s1 =	rddreg [dreg:$0x2];
	s5 =	sshrl.u32 s4, $0x5  }
0x9: {  	_ =	strace $0x80000047;
	s4 =	simm.s32 $0x1;
	s5 =	smul.u32 $0x39, s5  }
0xa: {  	s14 =	simm.s32 $0x0;
	s6 =	sadd.s32 $0xE64600, s6;
	[sflag:s4] =	ssyncpa.u1 $0x0  }
0xb: {  	s11 =	smov.u32 s2;
	[sflag:s7] =	ssyncpa.u1 $0x0;
	s7 =	sadd.s32 $0x1, s5  }
.LBB1_7:
0xc: {  	s19 =	sadd.s32 $0x4, s10  }
0xd: {  	s15 =	sadd.s32 $0x20, s11;
	s20 =	smov.u32 s11;
	p1 =	sgt.s32 s19, $0x4B  }
0xe: {  	s20 =	smov.u32 @p1 s15  }
0xf: {  	s15 =	simm.s32 $0x1;
	p2 =	sgt.s32 s20, $0x4B  }
0x10: {  	s15 =	simm.s32 @!p2 $0x0  }
0x11: {  	s21 =	sadd.s32 s15, s12  }
0x12: {  	s22 =	smov.u32 s13;
	s15 =	sadd.s32 $0x20, s13;
	p3 =	sgt.s32 s21, $0x2  }
0x13: {  	p0 =	slt.u32 s14, $0x2;
	s22 =	smov.u32 @p3 s15  }
0x14: {  	s16 =	smov.u32 s11;
	s19 =	simm.s32 @p1 $0x0;
	p1 =	sgt.s32 s22, $0x1F  }
0x15: {  	s23 =	simm.s32 @!p0 $0x2;
	s22 =	simm.s32 @p1 $0x0;
	p1 =	sne.s32 s14, s7  }
.Ltmp1:
0x16: {  	s17 =	smov.u32 s12;
	_ =	swait.ge @!p0 [sflag:s23], $0x4000;
	(pc) =	sbr.rel @!p1 .LBB1_8-.Ltmp1, $4  }
0x17: {  	s18 =	smov.u32 s13;
	[sflag:s23] =	ssyncset.done @!p0 $0x0;
	s20 =	smov.u32 @p2 s2  }
0x18: {  	s9 =	sadd.s32 $0x4000, s9;
	[sflag:s23] =	ssyncadd.s32 @!p0 $0xFFFFC000;
	s11 =	smov.u32 s20  }
0x19: {  	s21 =	simm.s32 @p3 $0x0;
	s15 =	smov.u32 s10;
	s10 =	smov.u32 s19  }
0x1a: {  	s12 =	smov.u32 s21;
	s14 =	sadd.s32 $0x1, s14;
	s13 =	smov.u32 s22  }
.LBB1_1:
0x1b: {  	p0 =	sge.u32 s14, s5  }
0x1c: {  	s19 =	sand.u32 @!p0 $0x1FFFFFF, s10;
	s21 =	smul.u32 @!p0 $0x47400, s13  }
0x1d: {  	s20 =	smulhi.u32 @!p0 $0x3333334, s19  }
0x1e: {  	s22 =	smul.u32 @!p0 $0x17C00, s12  }
0x1f: {  	s31 =	sadd.s32 $0xFFFFFFFF, s14;
	s20 =	smul.u32 @!p0 $0x50, s20  }
0x20: {  	s23 =	sxor.u32 @!p0 $0xFFFFFFFF, s14;
	s24 =	smul.u32 @!p0 $0x500, s11;
	s21 =	sadd.s32 @!p0 s6, s21  }
0x21: {  	s21 =	sadd.s32 @!p0 s22, s21;
	s22 =	simm.s32 @!p0 $0x23A000;
	s19 =	ssub.s32 @!p0 s19, s20  }
0x22: {  	s21 =	sadd.s32 @!p0 s24, s21;
	s20 =	sshll.u32 @!p0 s23, $0xE;
	s19 =	sshll.u32 @!p0 s19, $0x4  }
0x23: {  	s20 =	sand.u32 @!p0 $0x4000, s20;
	s19 =	sadd.s32 @!p0 s19, s21;
	s21 =	simm.s32 @!p0 $0x200  }
0x24: {  	[tilespmem:s20], [sflag:$0x1] =	stream.strided.gather @!p0 [hbm4b:s19+s21], $0x4000, s22, s21, $0x38;
	[tilespmem:$0x10000] =	vst v63  }
0x25: {  	p0 =	sge.u32 s31, s5  }
.Ltmp2:
0x26: {  	_ = 	snop;
	(pc) =	sbr.rel @p0 .LBB1_7-.Ltmp2, $1  }
0x27: {  	_ =	sdelay $0x3  }
0x28: {  	s19 =	sand.u32 $0x4000, s9  }
0x29: {  	_ =	swait.ge [sflag:s4], $0x4000;
	s22 =	sshll.u32 s14, $0xE;
	s20 =	sor.u32 $0x8040, s19  }
0x2a: {  	s21 =	sor.u32 $0x40, s19;
	[sflag:s4] =	ssyncset.done $0x0;
	s31 =	sand.u32 $0x4000, s22  }
0x2b: {  	s22 =	simm.s32 $0x0;
	[sflag:s4] =	ssyncadd.s32 $0xFFFFC000;
	s19 =	sor.u32 $0x8000, s31  }
.LBB1_3:
0x2c: {  	v0 =	vmov s21;
	_ =	sdelay $0x3  }
0x2d: {  	s24 =	simm.s32 $0x0  }
0x2e: {  	v6 =	vld.idx.msk [tilespmem:v0+s24+$0x30 ss:$0x1], $0xffff  }
0x2f: {  	v7 =	vld.idx.msk [tilespmem:v0+s24+$0xFFFFFFC0 ss:$0x1], $0xffff  }
0x30: {  	v5 =	vld.idx.msk [tilespmem:v0+s24+$0xFFFFFFD0 ss:$0x1], $0xffff  }
0x31: {  	v4 =	vld.idx.msk [tilespmem:v0+s24+$0xFFFFFFE0 ss:$0x1], $0xffff  }
0x32: {  	v3 =	vld.idx.msk [tilespmem:v0+s24+$0xFFFFFFF0 ss:$0x1], $0xffff  }
0x33: {  	v1 =	vld.idx.msk [tilespmem:v0+s24+$0x0 ss:$0x1], $0xffff  }
0x34: {  	v2 =	vld.idx.msk [tilespmem:v0+s24+$0x10 ss:$0x1], $0xffff;
	[tilespmem:s20+$0x30] =	vst v6  }
0x35: {  	s23 =	simm.s32 $0x80;
	s25 =	simm.s32 $0x400;
	[tilespmem:s20+$0xFFFFFFC0] =	vst v7;
	v6 =	vld.idx.msk [tilespmem:v0+s24+$0x20 ss:$0x1], $0xffff;
	s24 =	smov.u32 s20  }
.LBB1_4:
0x36: {  	p0 =	sne.s32 s25, $0x600;
	v7 =	vld.idx.msk [tilespmem:v0+s23+$0x30 ss:$0x1], $0xffff;
	[tilespmem:s24+$0xFFFFFFD0] =	vst v5  }
0x37: {  	v8 =	vld.idx.msk [tilespmem:v0+s23+$0xFFFFFFC0 ss:$0x1], $0xffff;
	[tilespmem:s24+$0xFFFFFFE0] =	vst v4  }
0x38: {  	v5 =	vld.idx.msk [tilespmem:v0+s23+$0xFFFFFFD0 ss:$0x1], $0xffff;
	[tilespmem:s24+$0xFFFFFFF0] =	vst v3  }
.Ltmp3:
0x39: {  	v4 =	vld.idx.msk [tilespmem:v0+s23+$0xFFFFFFE0 ss:$0x1], $0xffff;
	[tilespmem:s24+$0x0] =	vst v1;
	(pc) =	sbr.rel @p0 .LBB1_4-.Ltmp3, $4  }
0x3a: {  	v3 =	vld.idx.msk [tilespmem:v0+s23+$0xFFFFFFF0 ss:$0x1], $0xffff;
	[tilespmem:s24+$0x10] =	vst v2  }
0x3b: {  	v1 =	vld.idx.msk [tilespmem:v0+s23+$0x0 ss:$0x1], $0xffff;
	[tilespmem:s24+$0x20] =	vst v6;
	s24 =	sadd.s32 $0x1000, s24  }
0x3c: {  	v2 =	vld.idx.msk [tilespmem:v0+s23+$0x10 ss:$0x1], $0xffff;
	[tilespmem:s24+$0x30] =	vst v7  }
0x3d: {  	[tilespmem:s24+$0xFFFFFFC0] =	vst v8;
	v6 =	vld.idx.msk [tilespmem:v0+s23+$0x20 ss:$0x1], $0xffff;
	s23 =	sshra.s32 s25, $0x2;
	s25 =	sadd.s32 $0x200, s25  }
0x3e: {  	_ =	sdelay $0x2  }
0x3f: {  	[tilespmem:s24+$0xFFFFFFD0] =	vst v5  }
0x40: {  	v56 =	vld.idx.msk [tilespmem:v0+s23+$0x30 ss:$0x1], $0xffff;
	[tilespmem:s24+$0xFFFFFFE0] =	vst v4  }
0x41: {  	v57 =	vld.idx.msk [tilespmem:v0+s23+$0xFFFFFFC0 ss:$0x1], $0xffff;
	[tilespmem:s24+$0xFFFFFFF0] =	vst v3  }
0x42: {  	v58 =	vld.idx.msk [tilespmem:v0+s23+$0xFFFFFFD0 ss:$0x1], $0xffff;
	[tilespmem:s24+$0x0] =	vst v1  }
0x43: {  	v59 =	vld.idx.msk [tilespmem:v0+s23+$0xFFFFFFE0 ss:$0x1], $0xffff;
	[tilespmem:s24+$0x10] =	vst v2  }
0x44: {  	v60 =	vld.idx.msk [tilespmem:v0+s23+$0xFFFFFFF0 ss:$0x1], $0xffff;
	s31 =	sadd.s32 $0x1000, s24;
	[tilespmem:s24+$0x20] =	vst v6  }
0x45: {  	v61 =	vld.idx.msk [tilespmem:v0+s23+$0x0 ss:$0x1], $0xffff;
	[tilespmem:s31+$0x30] =	vst v56  }
0x46: {  	v62 =	vld.idx.msk [tilespmem:v0+s23+$0x10 ss:$0x1], $0xffff;
	s22 =	sadd.s32 $0x1, s22;
	[tilespmem:s31+$0xFFFFFFC0] =	vst v57  }
0x47: {  	v63 =	vld.idx.msk [tilespmem:v0+s23+$0x20 ss:$0x1], $0xffff;
	p0 =	sne.s32 s22, $0x20;
	[tilespmem:s31+$0xFFFFFFD0] =	vst v58  }
.Ltmp4:
0x48: {  	[tilespmem:s31+$0xFFFFFFE0] =	vst v59;
	(pc) =	sbr.rel @p0 .LBB1_3-.Ltmp4, $4  }
0x49: {  	[tilespmem:s31+$0xFFFFFFF0] =	vst v60  }
0x4a: {  	[tilespmem:s31+$0x0] =	vst v61  }
0x4b: {  	[tilespmem:s31+$0x10] =	vst v62  }
0x4c: {  	s20 =	sadd.s32 $0x80, s20;
	s21 =	sadd.s32 $0x200, s21;
	[tilespmem:s31+$0x20] =	vst v63  }
0x4d: {  	s17 =	smul.u32 $0x2D2000, s17  }
0x4e: {  	s18 =	sshll.u32 s18, $0x4;
	s16 =	smul.u32 $0x9800, s16  }
.Ltmp5:
0x4f: {  	s18 =	sand.u32 $0x1F0, s18;
	s17 =	sadd.s32 s3, s17;
	(pc) =	sbr.rel .LBB1_7-.Ltmp5, $4  }
0x50: {  	s17 =	sadd.s32 s18, s17  }
0x51: {  	s15 =	sshll.u32 s15, $0x9;
	s16 =	sadd.s32 s16, s17  }
0x52: {  	s15 =	sadd.s32 s15, s16  }
0x53: {  	[hbm4b:s15+s8] =	stream.linear.scatter [tilespmem:s19], [sflag:$0x2], $0x4000, $0x38;
	[tilespmem:$0x10000] =	vst v63  }
.LBB1_8:
0x54: {  	_ =	sfence.sel $0x180000  }
0x55: {  	s2 =	simm.s32 $0x1;
	[bflag:$0x0] =	sbarrier.arrive $0xFFFF  }
0x56: {  	s31 =	simm.s32 $0x2;
	[sflag:s2] =	ssyncpa.u1 $0x1  }
0x57: {  	[sflag:s31] =	ssyncpa.u1 $0x1  }
0x58: {  	p0 =	sne.s32 s0, $0x0;
	_ =	strace $0x90000047  }
0x59: {  	s0 =	sadd.s32 @!p0 $0x100000, s1;
	[bflag:$0x2] =	sbarrier.arrive $0xFFFF  }
0x5a: {  	[sflag:s0] =	ssyncadd.tile.s32 @!p0 $0x1;
	_ =	shalt  }
.Lfunc_end1:
_tile_overlayer_lowered:
.L_overlay_start_2:
0x5b: {  	(tag) =	ssettag $0x2  }
0x5c: {  	s0 =	rddreg [dreg:$0x0];
	s2 =	stileid.u32  }
0x5d: {  	s1 =	rddreg [dreg:$0x1];
	p0 =	sne.s32 s2, $0x0  }
0x5e: {  	s3 =	rddreg [dreg:$0x2];
	[bflag:$0x3] =	sbarrier.arrive $0xFFFF;
	s2 =	simm.s32 @!p0 $0x1C01  }
0x5f: {  	[timem:s3], [sflag:s2] =	dma.local @!p0 [hbm:s0], s1  }
0x60: {  	s0 =	simm.s32 @!p0 $0x1  }
0x61: {  	_ =	swait.ge @!p0 [sflag:s0], s1  }
0x62: {  	s1 =	ssub.s32 @!p0 $0x0, s1;
	[sflag:s0] =	ssyncset.done @!p0 $0x0  }
0x63: {  	[sflag:s0] =	ssyncadd.s32 @!p0 s1  }
0x64: {  	[bflag:$0x3] =	sbarrier.arrive $0xFFFF  }
0x65: {  	_ =	shalt  }

</sc_bundles>
